<compile_context>
chip_gen: v7x
topology: tpu7x:2x2x1
jax: 0.10.2.dev20260603
libtpu: 0.0.44.dev20260713+nightly
codegen_flags: <defaults>
</compile_context>

<pallas_src>
import functools

import jax
import jax.numpy as jnp
from jax import lax
from jax.experimental import pallas as pl
from jax.experimental.pallas import tpu as pltpu
from jax.experimental.pallas import tpu_sc as plsc

B = 1024
D = 128
Q = 100000
QBLK = 1024
NSTEPS = (Q + QBLK - 1) // QBLK
TEMPERATURE = 0.1
NEG = -3.0e38
INT_BIG = 2**31 - 1

SC_NC = 2
SC_NS = 16
SC_NW = SC_NC * SC_NS
ROWS_PER_W = (2 * B) // SC_NW


def _sim_argmax_body(pnorm_ref, fq_ref, idx_ref, newq_ref, runmax_ref):
    i = pl.program_id(0)

    @pl.when(i == 0)
    def _init():
        runmax_ref[...] = jnp.full((2 * B, 1), NEG, jnp.float32)
        idx_ref[...] = jnp.zeros((2 * B, 1), jnp.int32)

    fqb = fq_ref[...]
    scores = lax.dot_general(pnorm_ref[...], fqb, (((1,), (1,)), ((), ())),
                             preferred_element_type=jnp.float32)
    col = i * QBLK + lax.broadcasted_iota(jnp.int32, (2 * B, QBLK), 1)
    scores = jnp.where(col < Q, scores, NEG)
    bmax = jnp.max(scores, axis=1, keepdims=True)
    bidx = jnp.min(jnp.where(scores == bmax, col, INT_BIG), axis=1,
                   keepdims=True)
    better = bmax > runmax_ref[...]
    idx_ref[...] = jnp.where(better, bidx, idx_ref[...])
    bmax_bf = bmax.astype(jnp.bfloat16).astype(jnp.float32)
    runmax_ref[...] = jnp.where(better, bmax_bf, runmax_ref[...])

    @pl.when(i < NSTEPS - 1)
    def _shift_copy():
        newq_ref[...] = fqb

    @pl.when(i == NSTEPS - 1)
    def _queue_head():
        newq_ref[...] = pnorm_ref[pl.ds(0, B), :]


_sim_argmax = pl.pallas_call(
    _sim_argmax_body,
    grid=(NSTEPS,),
    in_specs=[
        pl.BlockSpec((2 * B, D), lambda i: (0, 0)),
        pl.BlockSpec((QBLK, D), lambda i: (i, 0)),
    ],
    out_specs=[
        pl.BlockSpec((2 * B, 1), lambda i: (0, 0)),
        pl.BlockSpec((QBLK, D), lambda i: ((i + 1) % NSTEPS, 0)),
    ],
    out_shape=[
        jax.ShapeDtypeStruct((2 * B, 1), jnp.int32),
        jax.ShapeDtypeStruct((Q, D), jnp.float32),
    ],
    scratch_shapes=[pltpu.VMEM((2 * B, 1), jnp.float32)],
    compiler_params=pltpu.CompilerParams(
        dimension_semantics=("arbitrary",)),
)


_SC_GATHER_CACHE = []


def _sc_gather(table, idx):
    if not _SC_GATHER_CACHE:
        @functools.partial(
            pl.kernel,
            mesh=plsc.VectorSubcoreMesh(core_axis_name="c",
                                        subcore_axis_name="s"),
            out_type=jax.ShapeDtypeStruct((2 * B, D), jnp.float32),
            scratch_types=[
                pltpu.VMEM((ROWS_PER_W,), jnp.int32),
                pltpu.VMEM((ROWS_PER_W, D), jnp.float32),
                pltpu.SemaphoreType.DMA,
            ],
        )
        def gather_k(table_hbm, idx_hbm, out_hbm, idx_v, rows_v, sem):
            wid = lax.axis_index("s") * SC_NC + lax.axis_index("c")
            base = wid * ROWS_PER_W
            pltpu.sync_copy(idx_hbm.at[pl.ds(base, ROWS_PER_W)], idx_v)
            pltpu.async_copy(table_hbm.at[idx_v], rows_v, sem).wait()
            pltpu.sync_copy(rows_v, out_hbm.at[pl.ds(base, ROWS_PER_W)])

        _SC_GATHER_CACHE.append(gather_k)
    return _SC_GATHER_CACHE[0](table, idx)


def _loss_body(nn_ref, pother_ref, loss_ref):
    g = pl.program_id(0)
    odd = (g % 2) == 1
    nn = nn_ref[...]
    po = pother_ref[...]
    a = jnp.where(odd, po, nn)
    b = jnp.where(odd, nn, po)
    s = lax.dot_general(a, b, (((1,), (1,)), ((), ())),
                        preferred_element_type=jnp.float32)
    s = s * (1.0 / TEMPERATURE)
    r = lax.broadcasted_iota(jnp.int32, (B, B), 0)
    c = lax.broadcasted_iota(jnp.int32, (B, B), 1)
    diag = jnp.sum(jnp.where(r == c, s, 0.0), axis=1, keepdims=True)
    m = jnp.max(s, axis=1, keepdims=True)
    lse = jnp.log(jnp.sum(jnp.exp(s - m), axis=1, keepdims=True)) + m
    loss_ref[...] = lse - diag


_loss_call = pl.pallas_call(
    _loss_body,
    grid=(4,),
    in_specs=[
        pl.BlockSpec((B, D), lambda g: (g // 2, 0)),
        pl.BlockSpec((B, D), lambda g: (1 - g // 2, 0)),
    ],
    out_specs=pl.BlockSpec((B, 1), lambda g: (g, 0)),
    out_shape=jax.ShapeDtypeStruct((4 * B, 1), jnp.float32),
    compiler_params=pltpu.CompilerParams(
        dimension_semantics=("arbitrary",)),
)


def _l2_normalize(x):
    sq = jnp.sum(x * x, axis=1, keepdims=True)
    return x * lax.rsqrt(jnp.maximum(sq, 1e-12))


def kernel(projections_1, projections_2, feature_queue):
    pnorm = jnp.concatenate([_l2_normalize(projections_1),
                             _l2_normalize(projections_2)], axis=0)
    idx, new_queue = _sim_argmax(pnorm, feature_queue)
    nn = _sc_gather(feature_queue, idx.reshape(2 * B))
    loss = _loss_call(nn, pnorm)
    return loss.reshape(4 * B), new_queue

# --- scband reference (transcript-rebuilt; emitter-appended) ---
"""Pipeline reference for scband-nnclr-7782480740655 (READ-ONLY COPY).

The authoritative reference and input builder live on the scoring server;
editing this copy changes nothing except your own understanding.
"""

import jax, jax.numpy as jnp
import numpy as np

TEMPERATURE = 0.1
B, Q, D = 1024, 100000, 128


def l2_normalize(x, axis=1, eps=1e-12):
    sq = jnp.sum(x * x, axis=axis, keepdims=True)
    return x * jax.lax.rsqrt(jnp.maximum(sq, eps))


def setup_inputs(seed: int = 0) -> dict:
    key = jax.random.key(seed)
    k1, k2, k3 = jax.random.split(key, 3)
    projections_1 = jax.random.normal(k1, (B, D), jnp.float32)
    projections_2 = jax.random.normal(k2, (B, D), jnp.float32)
    # feature_queue is a non-trainable state variable, initialized l2-normalized as in __init__
    feature_queue = l2_normalize(jax.random.normal(k3, (Q, D), jnp.float32))
    return {"projections_1": projections_1, "projections_2": projections_2, "feature_queue": feature_queue}


def nearest_neighbour(projections, feature_queue):
    support_similarities = jnp.matmul(projections, feature_queue.T)
    idx = jnp.argmax(support_similarities, axis=1)
    nn_projections = jnp.take(feature_queue, idx, axis=0)
    return projections + jax.lax.stop_gradient(nn_projections - projections)


def reference(projections_1, projections_2, feature_queue):
    # Faithful port of NNCLR.contrastive_loss (the kNN retrieval + InfoNCE core)
    p1 = l2_normalize(projections_1)
    p2 = l2_normalize(projections_2)
    nn1 = nearest_neighbour(p1, feature_queue)
    nn2 = nearest_neighbour(p2, feature_queue)
    similarities_1_2_1 = jnp.matmul(nn1, p2.T) / TEMPERATURE
    similarities_1_2_2 = jnp.matmul(p2, nn1.T) / TEMPERATURE
    similarities_2_1_1 = jnp.matmul(nn2, p1.T) / TEMPERATURE
    similarities_2_1_2 = jnp.matmul(p1, nn2.T) / TEMPERATURE
    logits = jnp.concatenate([similarities_1_2_1, similarities_1_2_2, similarities_2_1_1, similarities_2_1_2], axis=0)
    labels = jnp.concatenate([jnp.arange(B)] * 4, axis=0)
    logp = jax.nn.log_softmax(logits, axis=1)
    loss = -jnp.take_along_axis(logp, labels[:, None], axis=1)[:, 0]
    # queue update side-effect (feature_queue.assign) returned functionally
    new_feature_queue = jnp.concatenate([p1, feature_queue[:-B]], axis=0)
    return loss, new_feature_queue

if __name__ == "__main__":
    import jax
    _d = setup_inputs()
    print(jax.jit(kernel)(*tuple(_d.values())))

</pallas_src>

<mosaic_0001>
#map = affine_map<(d0, d1) -> (0, 0)>
#map1 = affine_map<(d0, d1) -> (0)>
module attributes {stable_mosaic.version = 14 : i64} {
  func.func @gather_k(%arg0: i32, %arg1: i32, %arg2: memref<100000x128xf32, #tpu.memory_space<hbm>>, %arg3: memref<2048xi32, #tpu.memory_space<hbm>>, %arg4: memref<2048x128xf32, #tpu.memory_space<hbm>>, %arg5: memref<64xi32, #tpu.memory_space<vmem>>, %arg6: memref<64x128xf32, #tpu.memory_space<vmem>>, %arg7: memref<!tpu.dma_semaphore, #tpu.memory_space<semaphore_mem>>) attributes {dimension_semantics = [#tpu.dimension_semantics<core_parallel>, #tpu.dimension_semantics<subcore_parallel>], iteration_bounds = array<i64: 2, 16>, scalar_prefetch = 0 : i64, scratch_operands = 3 : i64, tpu.core_type = #tpu.core_type<sc_vector_subcore>, window_params = [{transform_indices = #map}, {transform_indices = #map1}, {transform_indices = #map}]} {
    %mul3A = arith.constant 2 : i32
    %mul3A_0 = arith.muli %arg1, %mul3A : i32
    %add3A = arith.addi %mul3A_0, %arg0 : i32
    %mul3A_1 = arith.constant 64 : i32
    %mul3A_2 = arith.muli %add3A, %mul3A_1 : i32
    "tpu.region"() ({
      %run_scoped3A = tpu.sem_alloc : memref<!tpu.dma_semaphore, #tpu.memory_space<semaphore_mem>>
      %dma_start3A_7 = tpu.memref_slice %arg3[%mul3A_2] : memref<2048xi32, #tpu.memory_space<hbm>> -> memref<64xi32, #tpu.memory_space<hbm>>
      %dma_start3A_8 = tpu.memref_slice %arg3[%mul3A_2] : memref<2048xi32, #tpu.memory_space<hbm>> -> memref<64xi32, #tpu.memory_space<hbm>>
      tpu.enqueue_dma source(%dma_start3A_8 : memref<64xi32, #tpu.memory_space<hbm>>) target(%arg5 : memref<64xi32, #tpu.memory_space<vmem>>) target_semaphore(%run_scoped3A : memref<!tpu.dma_semaphore, #tpu.memory_space<semaphore_mem>>)
      %dma_wait3A_9 = tpu.memref_slice %arg3[%mul3A_2] : memref<2048xi32, #tpu.memory_space<hbm>> -> memref<64xi32, #tpu.memory_space<hbm>>
      %dma_wait3A_10 = tpu.memref_slice %arg3[%mul3A_2] : memref<2048xi32, #tpu.memory_space<hbm>> -> memref<64xi32, #tpu.memory_space<hbm>>
      tpu.wait_dma2 semaphore(%run_scoped3A : memref<!tpu.dma_semaphore, #tpu.memory_space<semaphore_mem>>) src(%dma_wait3A_10 : memref<64xi32, #tpu.memory_space<hbm>>) dst(%arg5 : memref<64xi32, #tpu.memory_space<vmem>>)
      tpu.yield
    }) : () -> ()
    %dma_start3A = arith.constant 0 : i32
    %dma_start3A_3 = arith.constant 0 : i32
    %dma_start3A_4 = tpu.memref_slice %arg2[%dma_start3A, %dma_start3A_3] : memref<100000x128xf32, #tpu.memory_space<hbm>> -> memref<100000x128xf32, #tpu.memory_space<hbm>>
    tpu.enqueue_indirect_dma source(%dma_start3A_4 : memref<100000x128xf32, #tpu.memory_space<hbm>>) target(%arg6 : memref<64x128xf32, #tpu.memory_space<vmem>>) offsets(%arg5 : memref<64xi32, #tpu.memory_space<vmem>>) semaphore(%arg7 : memref<!tpu.dma_semaphore, #tpu.memory_space<semaphore_mem>>)
    %dma_wait3A = arith.constant 0 : i32
    %dma_wait3A_5 = arith.constant 0 : i32
    %dma_wait3A_6 = tpu.memref_slice %arg2[%dma_wait3A, %dma_wait3A_5] : memref<100000x128xf32, #tpu.memory_space<hbm>> -> memref<100000x128xf32, #tpu.memory_space<hbm>>
    tpu.wait_indirect_dma semaphore(%arg7 : memref<!tpu.dma_semaphore, #tpu.memory_space<semaphore_mem>>) src(%dma_wait3A_6 : memref<100000x128xf32, #tpu.memory_space<hbm>>) dst(%arg6 : memref<64x128xf32, #tpu.memory_space<vmem>>)
    "tpu.region"() ({
      %run_scoped3A = tpu.sem_alloc : memref<!tpu.dma_semaphore, #tpu.memory_space<semaphore_mem>>
      %dma_start3A_7 = arith.constant 0 : i32
      %dma_start3A_8 = tpu.memref_slice %arg4[%mul3A_2, %dma_start3A_7] : memref<2048x128xf32, #tpu.memory_space<hbm>> -> memref<64x128xf32, #tpu.memory_space<hbm>>
      %dma_start3A_9 = arith.constant 0 : i32
      %dma_start3A_10 = tpu.memref_slice %arg4[%mul3A_2, %dma_start3A_9] : memref<2048x128xf32, #tpu.memory_space<hbm>> -> memref<64x128xf32, #tpu.memory_space<hbm>>
      tpu.enqueue_dma source(%arg6 : memref<64x128xf32, #tpu.memory_space<vmem>>) target(%dma_start3A_10 : memref<64x128xf32, #tpu.memory_space<hbm>>) target_semaphore(%run_scoped3A : memref<!tpu.dma_semaphore, #tpu.memory_space<semaphore_mem>>)
      %dma_wait3A_11 = arith.constant 0 : i32
      %dma_wait3A_12 = tpu.memref_slice %arg4[%mul3A_2, %dma_wait3A_11] : memref<2048x128xf32, #tpu.memory_space<hbm>> -> memref<64x128xf32, #tpu.memory_space<hbm>>
      %dma_wait3A_13 = arith.constant 0 : i32
      %dma_wait3A_14 = tpu.memref_slice %arg4[%mul3A_2, %dma_wait3A_13] : memref<2048x128xf32, #tpu.memory_space<hbm>> -> memref<64x128xf32, #tpu.memory_space<hbm>>
      tpu.wait_dma2 semaphore(%run_scoped3A : memref<!tpu.dma_semaphore, #tpu.memory_space<semaphore_mem>>) src(%arg6 : memref<64x128xf32, #tpu.memory_space<vmem>>) dst(%dma_wait3A_14 : memref<64x128xf32, #tpu.memory_space<hbm>>)
      tpu.yield
    }) : () -> ()
    return
  }
}

module attributes {stable_mosaic.version = 14 : i64} {
  func.func @_sim_argmax_body(%arg0: i32, %arg1: memref<2048x128xf32, #tpu.memory_space<vmem>>, %arg2: memref<1024x128xf32, #tpu.memory_space<vmem>>, %arg3: memref<2048x1xi32, #tpu.memory_space<vmem>>, %arg4: memref<1024x128xf32, #tpu.memory_space<vmem>>, %arg5: memref<2048x1xf32, #tpu.memory_space<vmem>>) attributes {dimension_semantics = [#tpu.dimension_semantics<arbitrary>], iteration_bounds = array<i64: 98>, scalar_prefetch = 0 : i64, scratch_operands = 1 : i64, tpu.core_type = #tpu.core_type<tc>, window_params = [{pipeline_mode = #tpu.pipeline_mode<synchronous>, transform_indices = @transform_0, window_bounds = array<i64: 2048, 128>}, {transform_indices = @transform_1, window_bounds = array<i64: 1024, 128>}, {pipeline_mode = #tpu.pipeline_mode<synchronous>, transform_indices = @transform_2, window_bounds = array<i64: 2048, 1>}, {transform_indices = @transform_3, window_bounds = array<i64: 1024, 128>}]} {
    %eq3A = arith.constant 0 : i32
    %eq3A_0 = arith.cmpi eq, %arg0, %eq3A : i32
    %convert_element_type3A = arith.extui %eq3A_0 : i1 to i32
    %cond3A = arith.constant 0 : i32
    %cond3A_1 = arith.cmpi ne, %convert_element_type3A, %cond3A : i32
    scf.if %cond3A_1 {
      %broadcast_in_dim3A_49 = arith.constant -3.000000e+38 : f32
      %broadcast_in_dim3A_50 = vector.broadcast %broadcast_in_dim3A_49 : f32 to vector<2048x1xf32>
      %swap3A_51 = arith.constant 0 : index
      %swap3A_52 = arith.constant 0 : index
      %swap3A_53 = vector.load %arg5[%swap3A_51, %swap3A_52] : memref<2048x1xf32, #tpu.memory_space<vmem>>, vector<2048x1xf32>
      tpu.vector_store %arg5[%swap3A_51, %swap3A_52], %broadcast_in_dim3A_50 {strides = array<i32>} : memref<2048x1xf32, #tpu.memory_space<vmem>>, vector<2048x1xf32>,
      %broadcast_in_dim3A_54 = arith.constant 0 : i32
      %broadcast_in_dim3A_55 = vector.broadcast %broadcast_in_dim3A_54 : i32 to vector<2048x1xi32>
      %swap3A_56 = arith.constant 0 : index
      %swap3A_57 = arith.constant 0 : index
      %swap3A_58 = vector.load %arg3[%swap3A_56, %swap3A_57] : memref<2048x1xi32, #tpu.memory_space<vmem>>, vector<2048x1xi32>
      tpu.vector_store %arg3[%swap3A_56, %swap3A_57], %broadcast_in_dim3A_55 {strides = array<i32>} : memref<2048x1xi32, #tpu.memory_space<vmem>>, vector<2048x1xi32>,
    } else {
    }
    %get3A = arith.constant 0 : index
    %get3A_2 = arith.constant 0 : index
    %get3A_3 = vector.load %arg2[%get3A, %get3A_2] : memref<1024x128xf32, #tpu.memory_space<vmem>>, vector<1024x128xf32>
    %get3A_4 = arith.constant 0 : index
    %get3A_5 = arith.constant 0 : index
    %get3A_6 = vector.load %arg1[%get3A_4, %get3A_5] : memref<2048x128xf32, #tpu.memory_space<vmem>>, vector<2048x128xf32>
    %dot_general3A = arith.constant dense<0.000000e+00> : vector<2048x1024xf32>
    %dot_general3A_7 = tpu.matmul %get3A_6, %get3A_3, %dot_general3A {dimension_numbers = #tpu.dot_dimension_numbers<[1], [1], [0], [0], [0, 0, 1, 0], [], []>, transpose_lhs_hint = false} : vector<2048x128xf32>, vector<1024x128xf32>, vector<2048x1024xf32> -> vector<2048x1024xf32>
    %mul3A = arith.constant 1024 : i32
    %mul3A_8 = arith.muli %arg0, %mul3A : i32
    %iota3A = tpu.iota {dimensions = array<i32: 1>} : vector<2048x1024xi32>
    %add3A = vector.broadcast %mul3A_8 : i32 to vector<2048x1024xi32>
    %add3A_9 = arith.addi %add3A, %iota3A : vector<2048x1024xi32>
    %lt3A = arith.constant 100000 : i32
    %lt3A_10 = vector.broadcast %lt3A : i32 to vector<2048x1024xi32>
    %lt3A_11 = arith.cmpi slt, %add3A_9, %lt3A_10 : vector<2048x1024xi32>
    %jit3A = arith.constant -3.000000e+38 : f32
    %broadcast_in_dim3A = vector.broadcast %jit3A : f32 to vector<2048x1024xf32>
    %select_n3A = arith.select %lt3A_11, %dot_general3A_7, %broadcast_in_dim3A : vector<2048x1024xi1>, vector<2048x1024xf32>
    %reduce_max3A = arith.constant dense<0xFF800000> : vector<2048xf32>
    %reduce_max3A_12 = vector.multi_reduction <maximumf>, %select_n3A, %reduce_max3A [1] : vector<2048x1024xf32> to vector<2048xf32>
    %broadcast_in_dim3A_13 = vector.shape_cast %reduce_max3A_12 : vector<2048xf32> to vector<2048x1xf32>
    %eq3A_14 = vector.broadcast %broadcast_in_dim3A_13 : vector<2048x1xf32> to vector<2048x1024xf32>
    %eq3A_15 = arith.cmpf oeq, %select_n3A, %eq3A_14 : vector<2048x1024xf32>
    %jit3A_16 = arith.constant 2147483647 : i32
    %broadcast_in_dim3A_17 = vector.broadcast %jit3A_16 : i32 to vector<2048x1024xi32>
    %select_n3A_18 = arith.select %eq3A_15, %add3A_9, %broadcast_in_dim3A_17 : vector<2048x1024xi1>, vector<2048x1024xi32>
    %reduce_min3A = arith.constant dense<2147483647> : vector<2048xi32>
    %reduce_min3A_19 = vector.multi_reduction <minsi>, %select_n3A_18, %reduce_min3A [1] : vector<2048x1024xi32> to vector<2048xi32>
    %broadcast_in_dim3A_20 = vector.shape_cast %reduce_min3A_19 : vector<2048xi32> to vector<2048x1xi32>
    %get3A_21 = arith.constant 0 : index
    %get3A_22 = arith.constant 0 : index
    %get3A_23 = vector.load %arg5[%get3A_21, %get3A_22] : memref<2048x1xf32, #tpu.memory_space<vmem>>, vector<2048x1xf32>
    %gt3A = arith.cmpf ogt, %broadcast_in_dim3A_13, %get3A_23 : vector<2048x1xf32>
    %get3A_24 = arith.constant 0 : index
    %get3A_25 = arith.constant 0 : index
    %get3A_26 = vector.load %arg3[%get3A_24, %get3A_25] : memref<2048x1xi32, #tpu.memory_space<vmem>>, vector<2048x1xi32>
    %select_n3A_27 = arith.select %gt3A, %broadcast_in_dim3A_20, %get3A_26 : vector<2048x1xi1>, vector<2048x1xi32>
    %swap3A = arith.constant 0 : index
    %swap3A_28 = arith.constant 0 : index
    %swap3A_29 = vector.load %arg3[%swap3A, %swap3A_28] : memref<2048x1xi32, #tpu.memory_space<vmem>>, vector<2048x1xi32>
    tpu.vector_store %arg3[%swap3A, %swap3A_28], %select_n3A_27 {strides = array<i32>} : memref<2048x1xi32, #tpu.memory_space<vmem>>, vector<2048x1xi32>,
    %convert_element_type3A_30 = arith.truncf %broadcast_in_dim3A_13 : vector<2048x1xf32> to vector<2048x1xbf16>
    %convert_element_type3A_31 = arith.extf %convert_element_type3A_30 : vector<2048x1xbf16> to vector<2048x1xf32>
    %get3A_32 = arith.constant 0 : index
    %get3A_33 = arith.constant 0 : index
    %get3A_34 = vector.load %arg5[%get3A_32, %get3A_33] : memref<2048x1xf32, #tpu.memory_space<vmem>>, vector<2048x1xf32>
    %select_n3A_35 = arith.select %gt3A, %convert_element_type3A_31, %get3A_34 : vector<2048x1xi1>, vector<2048x1xf32>
    %swap3A_36 = arith.constant 0 : index
    %swap3A_37 = arith.constant 0 : index
    %swap3A_38 = vector.load %arg5[%swap3A_36, %swap3A_37] : memref<2048x1xf32, #tpu.memory_space<vmem>>, vector<2048x1xf32>
    tpu.vector_store %arg5[%swap3A_36, %swap3A_37], %select_n3A_35 {strides = array<i32>} : memref<2048x1xf32, #tpu.memory_space<vmem>>, vector<2048x1xf32>,
    %lt3A_39 = arith.constant 97 : i32
    %lt3A_40 = arith.cmpi slt, %arg0, %lt3A_39 : i32
    %convert_element_type3A_41 = arith.extui %lt3A_40 : i1 to i32
    %cond3A_42 = arith.constant 0 : i32
    %cond3A_43 = arith.cmpi ne, %convert_element_type3A_41, %cond3A_42 : i32
    scf.if %cond3A_43 {
      %swap3A_49 = arith.constant 0 : index
      %swap3A_50 = arith.constant 0 : index
      %swap3A_51 = vector.load %arg4[%swap3A_49, %swap3A_50] : memref<1024x128xf32, #tpu.memory_space<vmem>>, vector<1024x128xf32>
      tpu.vector_store %arg4[%swap3A_49, %swap3A_50], %get3A_3 {strides = array<i32>} : memref<1024x128xf32, #tpu.memory_space<vmem>>, vector<1024x128xf32>,
    } else {
    }
    %eq3A_44 = arith.constant 97 : i32
    %eq3A_45 = arith.cmpi eq, %arg0, %eq3A_44 : i32
    %convert_element_type3A_46 = arith.extui %eq3A_45 : i1 to i32
    %cond3A_47 = arith.constant 0 : i32
    %cond3A_48 = arith.cmpi ne, %convert_element_type3A_46, %cond3A_47 : i32
    scf.if %cond3A_48 {
      %get3A_49 = arith.constant 0 : index
      %get3A_50 = arith.constant 0 : index
      %get3A_51 = vector.load %arg1[%get3A_49, %get3A_50] : memref<2048x128xf32, #tpu.memory_space<vmem>>, vector<1024x128xf32>
      %swap3A_52 = arith.constant 0 : index
      %swap3A_53 = arith.constant 0 : index
      %swap3A_54 = vector.load %arg4[%swap3A_52, %swap3A_53] : memref<1024x128xf32, #tpu.memory_space<vmem>>, vector<1024x128xf32>
      tpu.vector_store %arg4[%swap3A_52, %swap3A_53], %get3A_51 {strides = array<i32>} : memref<1024x128xf32, #tpu.memory_space<vmem>>, vector<1024x128xf32>,
    } else {
    }
    return
  }
  func.func @transform_0(%arg0: i32) -> (i32, i32) {
    %c0_i32 = arith.constant 0 : i32
    %c0_i32_0 = arith.constant 0 : i32
    %c0_i32_1 = arith.constant 0 : i32
    return %c0_i32, %c0_i32_0 : i32, i32
  }
  func.func @transform_1(%arg0: i32) -> (i32, i32) {
    %c0_i32 = arith.constant 0 : i32
    %c0_i32_0 = arith.constant 0 : i32
    return %arg0, %c0_i32 : i32, i32
  }
  func.func @transform_2(%arg0: i32) -> (i32, i32) {
    %c0_i32 = arith.constant 0 : i32
    %c0_i32_0 = arith.constant 0 : i32
    %c0_i32_1 = arith.constant 0 : i32
    return %c0_i32, %c0_i32_0 : i32, i32
  }
  func.func @transform_3(%arg0: i32) -> (i32, i32) {
    %add3A = arith.constant 1 : i32
    %add3A_0 = arith.addi %arg0, %add3A : i32
    %jit3A = arith.constant 98 : i32
    %eq3A = arith.constant 0 : i32
    %eq3A_1 = arith.cmpi eq, %jit3A, %eq3A : i32
    %jit3A_2 = arith.constant 1 : i32
    %select_n3A = arith.select %eq3A_1, %jit3A_2, %jit3A : i32
    %rem3A = arith.remsi %add3A_0, %select_n3A : i32
    %ne3A = arith.constant 0 : i32
    %ne3A_3 = arith.cmpi ne, %rem3A, %ne3A : i32
    %lt3A = arith.constant 0 : i32
    %lt3A_4 = arith.cmpi slt, %rem3A, %lt3A : i32
    %lt3A_5 = arith.constant 0 : i32
    %lt3A_6 = arith.cmpi slt, %select_n3A, %lt3A_5 : i32
    %ne3A_7 = arith.xori %lt3A_4, %lt3A_6 : i1
    %and3A = arith.andi %ne3A_7, %ne3A_3 : i1
    %add3A_8 = arith.addi %rem3A, %select_n3A : i32
    %select_n3A_9 = arith.select %and3A, %add3A_8, %rem3A : i32
    %c0_i32 = arith.constant 0 : i32
    %c0_i32_10 = arith.constant 0 : i32
    return %select_n3A_9, %c0_i32 : i32, i32
  }
}

module attributes {stable_mosaic.version = 14 : i64} {
  func.func @_loss_body(%arg0: i32, %arg1: memref<1024x128xf32, #tpu.memory_space<vmem>>, %arg2: memref<1024x128xf32, #tpu.memory_space<vmem>>, %arg3: memref<1024x1xf32, #tpu.memory_space<vmem>>) attributes {dimension_semantics = [#tpu.dimension_semantics<arbitrary>], iteration_bounds = array<i64: 4>, scalar_prefetch = 0 : i64, scratch_operands = 0 : i64, tpu.core_type = #tpu.core_type<tc>, window_params = [{transform_indices = @transform_0, window_bounds = array<i64: 1024, 128>}, {transform_indices = @transform_1, window_bounds = array<i64: 1024, 128>}, {transform_indices = @transform_2, window_bounds = array<i64: 1024, 1>}]} {
    %jit3A = arith.constant 2 : i32
    %eq3A = arith.constant 0 : i32
    %eq3A_0 = arith.cmpi eq, %jit3A, %eq3A : i32
    %jit3A_1 = arith.constant 1 : i32
    %select_n3A = arith.select %eq3A_0, %jit3A_1, %jit3A : i32
    %rem3A = arith.remsi %arg0, %select_n3A : i32
    %ne3A = arith.constant 0 : i32
    %ne3A_2 = arith.cmpi ne, %rem3A, %ne3A : i32
    %lt3A = arith.constant 0 : i32
    %lt3A_3 = arith.cmpi slt, %rem3A, %lt3A : i32
    %lt3A_4 = arith.constant 0 : i32
    %lt3A_5 = arith.cmpi slt, %select_n3A, %lt3A_4 : i32
    %ne3A_6 = arith.xori %lt3A_3, %lt3A_5 : i1
    %and3A = arith.andi %ne3A_6, %ne3A_2 : i1
    %add3A = arith.addi %rem3A, %select_n3A : i32
    %select_n3A_7 = arith.select %and3A, %add3A, %rem3A : i32
    %eq3A_8 = arith.constant 1 : i32
    %eq3A_9 = arith.cmpi eq, %select_n3A_7, %eq3A_8 : i32
    %get3A = arith.constant 0 : index
    %get3A_10 = arith.constant 0 : index
    %get3A_11 = vector.load %arg1[%get3A, %get3A_10] : memref<1024x128xf32, #tpu.memory_space<vmem>>, vector<1024x128xf32>
    %get3A_12 = arith.constant 0 : index
    %get3A_13 = arith.constant 0 : index
    %get3A_14 = vector.load %arg2[%get3A_12, %get3A_13] : memref<1024x128xf32, #tpu.memory_space<vmem>>, vector<1024x128xf32>
    %select_n3A_15 = arith.select %eq3A_9, %get3A_14, %get3A_11 : vector<1024x128xf32>
    %select_n3A_16 = arith.select %eq3A_9, %get3A_11, %get3A_14 : vector<1024x128xf32>
    %dot_general3A = arith.constant dense<0.000000e+00> : vector<1024x1024xf32>
    %dot_general3A_17 = tpu.matmul %select_n3A_15, %select_n3A_16, %dot_general3A {dimension_numbers = #tpu.dot_dimension_numbers<[1], [1], [0], [0], [0, 0, 1, 0], [], []>, transpose_lhs_hint = false} : vector<1024x128xf32>, vector<1024x128xf32>, vector<1024x1024xf32> -> vector<1024x1024xf32>
    %mul3A = arith.constant 1.000000e+01 : f32
    %mul3A_18 = vector.broadcast %mul3A : f32 to vector<1024x1024xf32>
    %mul3A_19 = arith.mulf %dot_general3A_17, %mul3A_18 : vector<1024x1024xf32>
    %iota3A = tpu.iota {dimensions = array<i32: 0>} : vector<1024x1024xi32>
    %iota3A_20 = tpu.iota {dimensions = array<i32: 1>} : vector<1024x1024xi32>
    %eq3A_21 = arith.cmpi eq, %iota3A, %iota3A_20 : vector<1024x1024xi32>
    %jit3A_22 = arith.constant 0.000000e+00 : f32
    %broadcast_in_dim3A = vector.broadcast %jit3A_22 : f32 to vector<1024x1024xf32>
    %select_n3A_23 = arith.select %eq3A_21, %mul3A_19, %broadcast_in_dim3A : vector<1024x1024xi1>, vector<1024x1024xf32>
    %reduce_sum3A = arith.constant dense<0.000000e+00> : vector<1024xf32>
    %reduce_sum3A_24 = vector.multi_reduction <add>, %select_n3A_23, %reduce_sum3A [1] : vector<1024x1024xf32> to vector<1024xf32>
    %broadcast_in_dim3A_25 = vector.shape_cast %reduce_sum3A_24 : vector<1024xf32> to vector<1024x1xf32>
    %reduce_max3A = arith.constant dense<0xFF800000> : vector<1024xf32>
    %reduce_max3A_26 = vector.multi_reduction <maximumf>, %mul3A_19, %reduce_max3A [1] : vector<1024x1024xf32> to vector<1024xf32>
    %broadcast_in_dim3A_27 = vector.shape_cast %reduce_max3A_26 : vector<1024xf32> to vector<1024x1xf32>
    %sub3A = vector.broadcast %broadcast_in_dim3A_27 : vector<1024x1xf32> to vector<1024x1024xf32>
    %sub3A_28 = arith.subf %mul3A_19, %sub3A : vector<1024x1024xf32>
    %exp3A = math.exp %sub3A_28 : vector<1024x1024xf32>
    %reduce_sum3A_29 = arith.constant dense<0.000000e+00> : vector<1024xf32>
    %reduce_sum3A_30 = vector.multi_reduction <add>, %exp3A, %reduce_sum3A_29 [1] : vector<1024x1024xf32> to vector<1024xf32>
    %broadcast_in_dim3A_31 = vector.shape_cast %reduce_sum3A_30 : vector<1024xf32> to vector<1024x1xf32>
    %log3A = math.log %broadcast_in_dim3A_31 : vector<1024x1xf32>
    %add3A_32 = arith.addf %log3A, %broadcast_in_dim3A_27 : vector<1024x1xf32>
    %sub3A_33 = arith.subf %add3A_32, %broadcast_in_dim3A_25 : vector<1024x1xf32>
    %swap3A = arith.constant 0 : index
    %swap3A_34 = arith.constant 0 : index
    %swap3A_35 = vector.load %arg3[%swap3A, %swap3A_34] : memref<1024x1xf32, #tpu.memory_space<vmem>>, vector<1024x1xf32>
    tpu.vector_store %arg3[%swap3A, %swap3A_34], %sub3A_33 {strides = array<i32>} : memref<1024x1xf32, #tpu.memory_space<vmem>>, vector<1024x1xf32>,
    return
  }
  func.func @transform_0(%arg0: i32) -> (i32, i32) {
    %jit3A = arith.constant 2 : i32
    %div3A = arith.divsi %arg0, %jit3A : i32
    %sign3A = arith.constant 0 : i32
    %sign3A_0 = arith.cmpi sgt, %arg0, %sign3A : i32
    %sign3A_1 = arith.extui %sign3A_0 : i1 to i32
    %sign3A_2 = arith.constant 0 : i32
    %sign3A_3 = arith.cmpi slt, %arg0, %sign3A_2 : i32
    %sign3A_4 = arith.extui %sign3A_3 : i1 to i32
    %sign3A_5 = arith.subi %sign3A_1, %sign3A_4 : i32
    %sign3A_6 = arith.constant 0 : i32
    %sign3A_7 = arith.cmpi sgt, %jit3A, %sign3A_6 : i32
    %sign3A_8 = arith.extui %sign3A_7 : i1 to i32
    %sign3A_9 = arith.constant 0 : i32
    %sign3A_10 = arith.cmpi slt, %jit3A, %sign3A_9 : i32
    %sign3A_11 = arith.extui %sign3A_10 : i1 to i32
    %sign3A_12 = arith.subi %sign3A_8, %sign3A_11 : i32
    %ne3A = arith.cmpi ne, %sign3A_5, %sign3A_12 : i32
    %rem3A = arith.remsi %arg0, %jit3A : i32
    %ne3A_13 = arith.constant 0 : i32
    %ne3A_14 = arith.cmpi ne, %rem3A, %ne3A_13 : i32
    %and3A = arith.andi %ne3A, %ne3A_14 : i1
    %sub3A = arith.constant 1 : i32
    %sub3A_15 = arith.subi %div3A, %sub3A : i32
    %select_n3A = arith.select %and3A, %sub3A_15, %div3A : i32
    %c0_i32 = arith.constant 0 : i32
    %c0_i32_16 = arith.constant 0 : i32
    return %select_n3A, %c0_i32 : i32, i32
  }
  func.func @transform_1(%arg0: i32) -> (i32, i32) {
    %jit3A = arith.constant 2 : i32
    %div3A = arith.divsi %arg0, %jit3A : i32
    %sign3A = arith.constant 0 : i32
    %sign3A_0 = arith.cmpi sgt, %arg0, %sign3A : i32
    %sign3A_1 = arith.extui %sign3A_0 : i1 to i32
    %sign3A_2 = arith.constant 0 : i32
    %sign3A_3 = arith.cmpi slt, %arg0, %sign3A_2 : i32
    %sign3A_4 = arith.extui %sign3A_3 : i1 to i32
    %sign3A_5 = arith.subi %sign3A_1, %sign3A_4 : i32
    %sign3A_6 = arith.constant 0 : i32
    %sign3A_7 = arith.cmpi sgt, %jit3A, %sign3A_6 : i32
    %sign3A_8 = arith.extui %sign3A_7 : i1 to i32
    %sign3A_9 = arith.constant 0 : i32
    %sign3A_10 = arith.cmpi slt, %jit3A, %sign3A_9 : i32
    %sign3A_11 = arith.extui %sign3A_10 : i1 to i32
    %sign3A_12 = arith.subi %sign3A_8, %sign3A_11 : i32
    %ne3A = arith.cmpi ne, %sign3A_5, %sign3A_12 : i32
    %rem3A = arith.remsi %arg0, %jit3A : i32
    %ne3A_13 = arith.constant 0 : i32
    %ne3A_14 = arith.cmpi ne, %rem3A, %ne3A_13 : i32
    %and3A = arith.andi %ne3A, %ne3A_14 : i1
    %sub3A = arith.constant 1 : i32
    %sub3A_15 = arith.subi %div3A, %sub3A : i32
    %select_n3A = arith.select %and3A, %sub3A_15, %div3A : i32
    %sub3A_16 = arith.constant 1 : i32
    %sub3A_17 = arith.subi %sub3A_16, %select_n3A : i32
    %c0_i32 = arith.constant 0 : i32
    %c0_i32_18 = arith.constant 0 : i32
    return %sub3A_17, %c0_i32 : i32, i32
  }
  func.func @transform_2(%arg0: i32) -> (i32, i32) {
    %c0_i32 = arith.constant 0 : i32
    %c0_i32_0 = arith.constant 0 : i32
    return %arg0, %c0_i32 : i32, i32
  }
}

</mosaic_0001>

<sc_bundles>
// kernel: kernel.5.cloned.1.call-start
scs
__scs_entry_jumppad:
0x0: {  	(pc) =	sbr.rel $0x88, $3  }
0x1: {  	(tag) =	ssettag $0x0;
	lr =	simm.s32 $0x1  }
0x2: {  	[smem:$0x3F9E] =	sst lr;
	_ =	strace $0xD0000000  }
0x3: {  	_ = 	snop  }
0x4: {  	_ = 	snop  }
0x5: {  	_ = 	snop  }
0x6: {  	_ = 	snop  }
0x7: {  	_ = 	snop  }
__scs_overlays_trampoline_lowered:
0x8: {  	[smem:$0x3FAD] =	sst s0  }
0x9: {  	[smem:$0x3FAE] =	sst s1  }
0xa: {  	[smem:$0x3FAF] =	sst s2  }
0xb: {  	[smem:$0x3FB0] =	sst s3  }
0xc: {  	[smem:$0x3FB1] =	sst s4  }
0xd: {  	[smem:$0x3FB2] =	sst s5  }
0xe: {  	[smem:$0x3FB3] =	sst s6  }
0xf: {  	[smem:$0x3FB4] =	sst s7  }
0x10: {  	[smem:$0x3FB5] =	sst s8  }
0x11: {  	[smem:$0x3FB6] =	sst s9;
	s0 =	simm.s32 @!p0 $0x0  }
0x12: {  	s1 =	sld [smem:$0x3F9C];
	s0 =	simm.s32 @p0 $0x1  }
0x13: {  	[smem:$0x3FB7] =	sst s0;
	s0 =	simm.s32 @!p1 $0x0  }
0x14: {  	s2 =	sld [smem:$0x3F9B];
	s0 =	simm.s32 @p1 $0x1  }
0x15: {  	[smem:$0x3FB8] =	sst s0;
	s0 =	simm.s32 @!p2 $0x0  }
0x16: {  	s3 =	sld [smem:$0x3FDB];
	s0 =	simm.s32 @p2 $0x1  }
0x17: {  	s4 =	simm.s32 $0x1BF5;
	[smem:$0x3FBA] =	sst s0  }
0x18: {  	s0 =	sld [smem:$0x3F9D];
	_ =	swait.ge [sflag:s4], $0x0  }
0x19: {  	s7 =	sld [smem:$0x3F9E]  }
0x1a: {  	s8 =	sadd.s32 $0xFFFFE003, lr  }
0x1b: {  	s9 =	sadd.s32 $0xFFFFFEF7, lr;
	s5 =	simm.s32 $0xFFFFFFFF;
	p2 =	slt.u32 s8, $0xFFFFF086  }
0x1c: {  	p1 =	slt.u32 s9, $0xF7A;
	s5 =	simm.s32 @!p2 $0x0  }
0x1d: {  	s5 =	simm.s32 @p1 $0x1;
	p0 =	seq.s32 s7, s2  }
0x1e: {  	s7 =	smul.u32 @!p0 $0xF7A, s2;
	p2 =	seq.s32 @!p0 s5, $0x0  }
0x1f: {  	s9 =	smul.u32 $0xF7A, s1;
	s8 =	simm.s32 @!p0 $0x1BF5;
	p2 =	por !p2, p0  }
0x20: {  	[sflag:s8] =	ssyncset.s32 @!p0 $0xFFFFF086;
	s6 =	sadd.s32 @!p0 s3, s7;
	s7 =	simm.s32 @!p0 $0x108  }
0x21: {  	s3 =	sadd.s32 s3, s9;
	s6 =	sadd.s32 @!p0 $0x88, s6;
	s7 =	simm.s32 @p2 $0x1082  }
0x22: {  	[simem:s7], [sflag:s8] =	dma.local @!p0 [hbm:s6], $0xF7A  }
0x23: {  	s9 =	sor.u32 $0xD0000000, s2;
	s6 =	simm.s32 $0x108;
	_ =	swait.ge @!p0 [sflag:s8], $0x0  }
0x24: {  	s3 =	sadd.s32 $0x88, s3;
	s6 =	simm.s32 @!p1 $0x1082;
	[sflag:s4] =	ssyncset.s32 $0xFFFFF086  }
0x25: {  	[simem:s6], [sflag:s4] =	dma.local [hbm:s3], $0xF7A  }
0x26: {  	[smem:$0x3F9E] =	sst s1;
	(tag) =	ssettag s2;
	_ =	strace s9  }
0x27: {  	s1 =	sld [smem:$0x3FAE]  }
0x28: {  	s2 =	sld [smem:$0x3FAF]  }
0x29: {  	s4 =	sld [smem:$0x3FB1]  }
0x2a: {  	p0 =	seq.s32 s5, $0x0;
	s5 =	sld [smem:$0x3FB2]  }
0x2b: {  	s6 =	sld [smem:$0x3FB3]  }
0x2c: {  	s7 =	sld [smem:$0x3FB4]  }
0x2d: {  	s3 =	simm.s32 $0x108;
	s8 =	sld [smem:$0x3FB5]  }
0x2e: {  	s3 =	simm.s32 @!p0 $0x1082;
	s9 =	sld [smem:$0x3FB6]  }
0x2f: {  	lr =	sadd.s32 s0, s3;
	s0 =	sld [smem:$0x3FAD]  }
0x30: {  	s3 =	sld [smem:$0x3FB0]  }
0x31: {  	[smem:$0x3FB9] =	sst s10  }
0x32: {  	s10 =	sld [smem:$0x3FB7];
	_ =	sdelay $0x3  }
0x33: {  	p0 =	seq.s32 s10, $0x1;
	s10 =	sld [smem:$0x3FB9];
	_ =	sdelay $0x3  }
0x34: {  	[smem:$0x3FB9] =	sst s10  }
0x35: {  	s10 =	sld [smem:$0x3FB8];
	_ =	sdelay $0x3  }
0x36: {  	p1 =	seq.s32 s10, $0x1;
	s10 =	sld [smem:$0x3FB9];
	_ =	sdelay $0x3  }
0x37: {  	[smem:$0x3FB9] =	sst s10  }
0x38: {  	s10 =	sld [smem:$0x3FBA]  }
0x39: {  	_ = 	snop;
	(pc) =	sbr.ind lr, $3  }
0x3a: {  	_ = 	snop  }
0x3b: {  	_ = 	snop  }
0x3c: {  	p2 =	seq.s32 s10, $0x1;
	s10 =	sld [smem:$0x3FB9]  }
0x3d: {  	_ =	shalt  }
0x3e: {  	_ =	shalt  }
0x3f: {  	_ =	shalt  }
0x40: {  	_ =	shalt  }
0x41: {  	_ =	shalt  }
0x42: {  	_ =	shalt  }
0x43: {  	_ =	shalt  }
0x44: {  	_ =	shalt  }
0x45: {  	_ =	shalt  }
0x46: {  	_ =	shalt  }
0x47: {  	_ =	shalt  }
0x48: {  	_ =	shalt  }
0x49: {  	_ =	shalt  }
0x4a: {  	_ =	shalt  }
0x4b: {  	_ =	shalt  }
0x4c: {  	_ =	shalt  }
0x4d: {  	_ =	shalt  }
0x4e: {  	_ =	shalt  }
0x4f: {  	_ =	shalt  }
0x50: {  	_ =	shalt  }
0x51: {  	_ =	shalt  }
0x52: {  	_ =	shalt  }
0x53: {  	_ =	shalt  }
0x54: {  	_ =	shalt  }
0x55: {  	_ =	shalt  }
0x56: {  	_ =	shalt  }
0x57: {  	_ =	shalt  }
0x58: {  	_ =	shalt  }
0x59: {  	_ =	shalt  }
0x5a: {  	_ =	shalt  }
0x5b: {  	_ =	shalt  }
0x5c: {  	_ =	shalt  }
0x5d: {  	_ =	shalt  }
0x5e: {  	_ =	shalt  }
0x5f: {  	_ =	shalt  }
0x60: {  	_ =	shalt  }
0x61: {  	_ =	shalt  }
0x62: {  	_ =	shalt  }
0x63: {  	_ =	shalt  }
0x64: {  	_ =	shalt  }
0x65: {  	_ =	shalt  }
0x66: {  	_ =	shalt  }
0x67: {  	_ =	shalt  }
0x68: {  	_ =	shalt  }
0x69: {  	_ =	shalt  }
0x6a: {  	_ =	shalt  }
0x6b: {  	_ =	shalt  }
0x6c: {  	_ =	shalt  }
0x6d: {  	_ =	shalt  }
0x6e: {  	_ =	shalt  }
0x6f: {  	_ =	shalt  }
0x70: {  	_ =	shalt  }
0x71: {  	_ =	shalt  }
0x72: {  	_ =	shalt  }
0x73: {  	_ =	shalt  }
0x74: {  	_ =	shalt  }
0x75: {  	_ =	shalt  }
0x76: {  	_ =	shalt  }
0x77: {  	_ =	shalt  }
0x78: {  	_ =	shalt  }
0x79: {  	_ =	shalt  }
0x7a: {  	_ =	shalt  }
0x7b: {  	_ =	shalt  }
0x7c: {  	_ =	shalt  }
0x7d: {  	_ =	shalt  }
0x7e: {  	_ =	shalt  }
0x7f: {  	_ =	shalt  }
0x80: {  	_ =	shalt  }
0x81: {  	_ =	shalt  }
0x82: {  	_ =	shalt  }
0x83: {  	_ =	shalt  }
0x84: {  	_ =	shalt  }
0x85: {  	_ =	shalt  }
0x86: {  	_ =	shalt  }
0x87: {  	_ =	shalt  }
.Lfunc_end0:
.L_simem_size_0:
called_computation_lowered:
.L_overlay_start_0:
0x88: {  	s2 =	sld [smem:$0x3FD9]  }
0x89: {  	s3 =	sld [smem:$0x3FFE];
	_ =	sdelay $0x1  }
0x8a: {  	s1 =	srdreg.scid  }
0x8b: {  	s0 =	sand.u32 $0x1, s1  }
0x8c: {  	s14 =	sshll.u32 s0, $0xA;
	s2 =	sadd.s32 s3, s2  }
0x8d: {  	s2 =	sadd.s32 s2, s14  }
0x8e: {  	[smem:$0x3FC5] =	sst s2  }
0x8f: {  	_ = 	snop  }
0x90: {  	s2 =	sld [smem:$0x3FD0];
	_ =	sdelay $0x2  }
0x91: {  	s4 =	simm.s32 $0xA;
	s5 =	simm.s32 $0x10;
	s15 =	sld [smem:$0x3FC7]  }
0x92: {  	[smem:s5], [sflag:s4] =	dma.local [hbm:s2], $0x1  }
0x93: {  	_ =	swait.eq [sflag:s4], $0x1  }
0x94: {  	[sflag:s4] =	ssyncset.done $0x0  }
0x95: {  	[sflag:s4] =	ssyncadd.s32 $0xFFFFFFFF  }
0x96: {  	s16 =	sld [smem:$0x10];
	(tm) =	ssettm $0x1  }
0x97: {  	s17 =	sld [smem:$0x3FFB];
	_ =	sdelay $0x3  }
0x98: {  	_ =	strace s17  }
0x99: {  	s4 =	sld [smem:$0x3FFC];
	_ =	sdelay $0x3  }
0x9a: {  	_ =	strace s4  }
0x9b: {  	s4 =	sld [smem:$0x3FFD];
	_ =	sdelay $0x3  }
0x9c: {  	_ =	strace s4  }
0x9d: {  	_ =	strace $0x8FFFFFFF  }
0x9e: {  	s18 =	sld [smem:$0x3FDB];
	_ =	sdelay $0x1  }
0x9f: {  	s19 =	simm.s32 $_scs_section_size  }
0xa0: {  	s6 =	simm.s32 $_size__tile_overlayer_lowered;
	s7 =	simm.s32 $_tile_overlayer_lowered  }
0xa1: {  	s22 =	simm.s32 $0x1BFF;
	s21 =	sshll.u32 s7, $0x1;
	s4 =	sadd.s32 s19, s18  }
0xa2: {  	s8 =	simm.s32 $0x0;
	s20 =	sshll.u32 s6, $0x1;
	s6 =	sadd.s32 s21, s4  }
0xa3: {  	[timem:s8], [sflag:s22] =	dma.local [hbm:s6], s20  }
0xa4: {  	_ =	swait.ge [sflag:s22], s20  }
0xa5: {  	s5 =	ssub.s32 $0x0, s20;
	[sflag:s22] =	ssyncset.done $0x0  }
0xa6: {  	[sflag:s22] =	ssyncadd.s32 s5;
	_ =	sdelay $0x1  }
0xa7: {  	s23 =	simm.s32 $0x1B8B  }
0xa8: {  	_ =	swait.ge [sflag:s23], $0x1  }
0xa9: {  	[sflag:s23] =	ssyncset.done $0x0  }
0xaa: {  	s25 =	simm.s32 $0x1B8E;
	s24 =	sld [smem:$0x3FFE];
	[sflag:s23] =	ssyncadd.s32 $0xFFFFFFFF  }
0xab: {  	s26 =	simm.s32 $execute0_lowered;
	[smem:$0x3FD2] =	sst s25  }
0xac: {  	s6 =	sshll.u32 s26, $0x1;
	_ =	strace $0x80000046;
	[dreg:$0x1] =	wrdreg $0xFFFFFFFF  }
0xad: {  	s28 =	simm.s32 $_size_execute0_lowered;
	s4 =	sadd.s32 s4, s6;
	[dreg:$0x0] =	wrdreg $0x0  }
0xae: {  	s6 =	sshll.u32 s28, $0x1;
	[dreg:$0x2] =	wrdreg s4  }
0xaf: {  	[dreg:$0x3] =	wrdreg s6  }
0xb0: {  	[dreg:$0x4] =	wrdreg $0xC0  }
0xb1: {  	_ =	task [dreg:s8], $0x5FFFF  }
0xb2: {  	[dreg:$0x1] =	wrdreg $0xFFFFFFFF  }
0xb3: {  	[dreg:$0x0] =	wrdreg $0x60  }
0xb4: {  	[dreg:$0x2] =	wrdreg s15  }
0xb5: {  	[dreg:$0x3] =	wrdreg s16  }
0xb6: {  	[dreg:$0x4] =	wrdreg s24  }
0xb7: {  	[dreg:$0x5] =	wrdreg $0x9  }
0xb8: {  	_ =	task.clear_ibuf [dreg:s8], $0x6FFFF;
	_ =	strace $0x90000046  }
0xb9: {  	s29 =	simm.s32 $0x9;
	_ =	strace $0x80000048  }
0xba: {  	_ =	swait.ge [sflag:s29], $0x1  }
0xbb: {  	[sflag:s29] =	ssyncadd.s32 $0xFFFFFFFF  }
0xbc: {  	_ =	strace $0x90000048  }
0xbd: {  	_ =	sfence  }
0xbe: {  	s30 =	sld [smem:$0x0];
	_ =	sdelay $0x2  }
0xbf: {  	s31 =	sshll.u32 s1, $0xD;
	s1 =	sshrl.u32 s1, $0x2  }
0xc0: {  	s3 =	sand.u32 $0x4000, s31;
	s1 =	sadd.s32 s1, s30  }
0xc1: {  	s0 =	sor.u32 s3, s0;
	s1 =	sshll.u32 s1, $0x11  }
0xc2: {  	s0 =	sor.u32 s1, s0  }
0xc3: {  	s0 =	sadd.s32 $0x8F2B, s0  }
0xc4: {  	[sflag:s0] =	ssyncadd.remote.s32 $0x1  }
0xc5: {  	_ =	sfence.sel $0xFFFF  }
0xc6: {  	[dreg:$0x0] =	wrdreg $0xFFFFFFFF;
	(pc) =	sbr.abs _section_cstart, $3  }
0xc7: {  	[dreg:$0x1] =	wrdreg $0xFFFFFFFF  }
0xc8: {  	_ =	task.clear_ibuf [dreg:s8], $0x2FFFF;
	_ =	strace $0x9FFFFFFF  }
0xc9: {  	(tm) =	ssettm $0x7FFFFFFF  }
tec
execute0_lowered:
.L_overlay_start_1:
0x0: {  	(tag) =	ssettag $0x1  }
0x1: {  	s1 =	rddreg [dreg:$0x0]  }
0x2: {  	s2 =	srdreg.scid;
	s4 =	rddreg [dreg:$0x1]  }
0x3: {  	s0 =	stileid.u32;
	s9 =	rddreg [dreg:$0x2];
	s6 =	sand.u32 $0x1, s2  }
0x4: {  	s3 =	simm.s32 $0x0;
	s5 =	sshll.u32 s0, $0x7;
	s7 =	sshll.u32 s6, $0x6  }
0x5: {  	[smem:$0x7FF] =	sst s3;
	s10 =	sor.u32 s7, s5  }
0x6: {  	s2 =	rddreg [dreg:$0x3];
	_ =	strace $0x80000047;
	s5 =	sshrl.u32 s10, $0x3  }
0x7: {  	s11 =	ssub.s32 $0x2, s6;
	s5 =	sadd.s32 s4, s5;
	s4 =	simm.s32 $0x2  }
0x8: {  	[tilespmem:s3], [sflag:$0x2] =	stream.linear.gather [hbm4b:s5+s3], $0x40, $0x38;
	[tilespmem:$0x2080] =	vst v63  }
0x9: {  	s8 =	simm.s32 $0x1;
	s12 =	sshrl.u32 s11, $0x1;
	_ =	swait.ge [sflag:s4], $0x40  }
0xa: {  	s6 =	simm.s32 $0x40;
	s11 =	ssub.s32 s11, s12;
	[sflag:s4] =	ssyncset.done $0x0  }
0xb: {  	s7 =	simm.s32 $0x80;
	s31 =	smax.u32 s11, $0x1;
	[sflag:s4] =	ssyncadd.s32 $0xFFFFFFC0  }
0xc: {  	[tilespmem:s7], [sflag:$0x1] =	stream.indirect.gather [hbm4b:s1+s6], $0x80, s3, s6, $0xb8;
	[tilespmem:$0x2080] =	vst v63  }
0xd: {  	p0 =	sne.s32 s31, $0x1;
	_ =	swait.ge [sflag:s8], $0x2000  }
.Ltmp0:
0xe: {  	s10 =	sshll.u32 s10, $0x4;
	[sflag:s8] =	ssyncset.done $0x0;
	(pc) =	sbr.rel @!p0 .LBB2_2-.Ltmp0, $4  }
0xf: {  	s9 =	sadd.s32 s9, s10;
	[sflag:s8] =	ssyncadd.s32 $0xFFFFE000  }
0x10: {  	[hbm4b:s9+s3] =	stream.linear.scatter [tilespmem:s7], [sflag:$0x2], $0x2000, $0x38;
	[tilespmem:$0x2080] =	vst v63  }
0x11: {  	_ =	swait.ge [sflag:s4], $0x2000  }
0x12: {  	s10 =	sadd.s32 $0xFFFFFFFF, s31;
	[sflag:s4] =	ssyncset.done $0x0  }
.LBB2_1:
0x13: {  	p0 =	sne.s32 s10, $0x1;
	s10 =	sadd.s32 $0xFFFFFFFF, s10;
	[sflag:s4] =	ssyncadd.s32 $0xFFFFE000  }
0x14: {  	[tilespmem:s3], [sflag:$0x2] =	stream.linear.gather [hbm4b:s5+s3], $0x40, $0x38;
	[tilespmem:$0x2080] =	vst v63  }
0x15: {  	_ =	swait.ge [sflag:s4], $0x40  }
0x16: {  	[sflag:s4] =	ssyncset.done $0x0  }
0x17: {  	[sflag:s4] =	ssyncadd.s32 $0xFFFFFFC0  }
0x18: {  	[tilespmem:s7], [sflag:$0x1] =	stream.indirect.gather [hbm4b:s1+s6], $0x80, s3, s6, $0xb8;
	[tilespmem:$0x2080] =	vst v63  }
0x19: {  	_ =	swait.ge [sflag:s8], $0x2000  }
.Ltmp1:
0x1a: {  	[sflag:s8] =	ssyncset.done $0x0;
	(pc) =	sbr.rel @p0 .LBB2_1-.Ltmp1, $4  }
0x1b: {  	[sflag:s8] =	ssyncadd.s32 $0xFFFFE000  }
0x1c: {  	[hbm4b:s9+s3] =	stream.linear.scatter [tilespmem:s7], [sflag:$0x2], $0x2000, $0x38;
	[tilespmem:$0x2080] =	vst v63  }
0x1d: {  	_ =	swait.ge [sflag:s4], $0x2000  }
0x1e: {  	[sflag:s4] =	ssyncset.done $0x0  }
.LBB2_2:
0x1f: {  	[sflag:s4] =	ssyncadd.s32 $0xFFFFE000  }
0x20: {  	_ =	sfence.sel $0x180000  }
0x21: {  	[bflag:$0x0] =	sbarrier.arrive $0xFFFF  }
0x22: {  	p0 =	sne.s32 s0, $0x0;
	_ =	strace $0x90000047  }
0x23: {  	s0 =	sadd.s32 @!p0 $0x100000, s2;
	[bflag:$0x2] =	sbarrier.arrive $0xFFFF  }
0x24: {  	[sflag:s0] =	ssyncadd.tile.s32 @!p0 $0x1;
	_ =	shalt  }
.Lfunc_end2:
_tile_overlayer_lowered:
.L_overlay_start_2:
0x25: {  	(tag) =	ssettag $0x2  }
0x26: {  	s0 =	rddreg [dreg:$0x0];
	s2 =	stileid.u32  }
0x27: {  	s1 =	rddreg [dreg:$0x1];
	p0 =	sne.s32 s2, $0x0  }
0x28: {  	s3 =	rddreg [dreg:$0x2];
	[bflag:$0x3] =	sbarrier.arrive $0xFFFF;
	s2 =	simm.s32 @!p0 $0x1C02  }
0x29: {  	[timem:s3], [sflag:s2] =	dma.local @!p0 [hbm:s0], s1  }
0x2a: {  	s0 =	simm.s32 @!p0 $0x2  }
0x2b: {  	_ =	swait.ge @!p0 [sflag:s0], s1  }
0x2c: {  	s1 =	ssub.s32 @!p0 $0x0, s1;
	[sflag:s0] =	ssyncset.done @!p0 $0x0  }
0x2d: {  	[sflag:s0] =	ssyncadd.s32 @!p0 s1  }
0x2e: {  	[bflag:$0x3] =	sbarrier.arrive $0xFFFF  }
0x2f: {  	_ =	shalt  }

</sc_bundles>
